<compile_context>
chip_gen: v7x
topology: tpu7x:2x2x1
jax: 0.10.2.dev20260603
libtpu: 0.0.44.dev20260713+nightly
codegen_flags: <defaults>
</compile_context>

<pallas_src>
import functools

import jax
import jax.numpy as jnp
from jax import lax
from jax.experimental import pallas as pl
from jax.experimental.pallas import tpu as pltpu
from jax.experimental.pallas import tpu_sc as plsc

_SIZE = 32000
_PADDING_IDX = 0
_SMOOTHING = 0.1
_CONFIDENCE = 1.0 - _SMOOTHING
_FILL = _SMOOTHING / (_SIZE - 2)

_ROWS_PER_BLOCK = 64

_NUM_CORES = 2
_NUM_SUBCORES = 16
_LANES = 16
_NUM_WORKERS = _NUM_CORES * _NUM_SUBCORES


def _fill_kernel(tgt_ref, out_ref):
    r, c = out_ref.shape
    tgt = tgt_ref[0].reshape(r, 1)
    col = jax.lax.broadcasted_iota(jnp.int32, (r, c), 1)
    vals = jnp.where(col == _PADDING_IDX, 0.0, _FILL)
    vals = jnp.where(tgt == _PADDING_IDX, 0.0, vals)
    out_ref[...] = vals.astype(out_ref.dtype)


def _tc_fill(tgt, n, size, dtype):
    rb = _ROWS_PER_BLOCK
    num_blocks = n // rb
    tgt3 = tgt.reshape(num_blocks, 1, rb)
    return pl.pallas_call(
        _fill_kernel,
        grid=(num_blocks,),
        in_specs=[pl.BlockSpec((1, 1, rb), lambda i: (i, 0, 0))],
        out_specs=pl.BlockSpec((rb, size), lambda i: (i, 0)),
        out_shape=jax.ShapeDtypeStruct((n, size), dtype),
    )(tgt3)


def _make_sc_scatter(n, size):
    epw = n // _NUM_WORKERS
    mesh = plsc.VectorSubcoreMesh(core_axis_name="c", subcore_axis_name="s")

    @functools.partial(
        pl.kernel,
        mesh=mesh,
        out_type=(),
        scratch_types=[
            pltpu.VMEM((epw,), jnp.int32),
            pltpu.VMEM((epw,), jnp.int32),
            pltpu.VMEM((epw,), jnp.float32),
            pltpu.SemaphoreType.DMA,
        ],
    )
    def sc_scatter(out_ref, tgt_hbm, tgt_v, idx_v, val_v, sem):
        wid = lax.axis_index("s") * _NUM_CORES + lax.axis_index("c")
        base = wid * epw
        pltpu.sync_copy(tgt_hbm.at[pl.ds(base, epw)], tgt_v)
        for j in range(epw // _LANES):
            t = tgt_v[pl.ds(j * _LANES, _LANES)]
            rows = base + j * _LANES + lax.iota(jnp.int32, _LANES)
            idx_v[pl.ds(j * _LANES, _LANES)] = rows * size + t
            val_v[pl.ds(j * _LANES, _LANES)] = jnp.where(
                t == _PADDING_IDX, 0.0, _CONFIDENCE
            )
        pltpu.async_copy(val_v, out_ref.at[idx_v], sem).wait()

    return sc_scatter


def kernel(x, target):
    n, size = x.shape
    assert size == _SIZE
    tgt = target.astype(jnp.int32)
    filled = _tc_fill(tgt, n, size, x.dtype)
    out_ref = jax.new_ref(filled.reshape(n * size))
    _make_sc_scatter(n, size)(out_ref, tgt)
    return out_ref[...].reshape(n, size)

# --- scband reference (transcript-rebuilt; emitter-appended) ---
"""Pipeline reference for scband-label-smoothing-61795989455028 (READ-ONLY COPY).

The authoritative reference and input builder live on the scoring server;
editing this copy changes nothing except your own understanding.
"""

import jax, jax.numpy as jnp
import numpy as np

SIZE = 32000
PADDING_IDX = 0
SMOOTHING = 0.1
CONFIDENCE = 1.0 - SMOOTHING


def setup_inputs(seed: int = 0) -> dict:
    key = jax.random.key(seed)
    k1, k2 = jax.random.split(key)
    x = jax.random.normal(k1, (2048, 32000), dtype=jnp.float32)
    target = jax.random.randint(k2, (2048,), 0, 32000, dtype=jnp.int64)
    return {"x": x, "target": target}


def reference(x, target):
    assert x.shape[1] == SIZE
    n = x.shape[0]
    # torch.ones_like(x) * smoothing / (size - 2)
    true_dist = jnp.ones_like(x) * (SMOOTHING / (SIZE - 2))
    # scatter_(1, target.unsqueeze(1), confidence)
    rows = jnp.arange(n)
    true_dist = true_dist.at[rows, target].set(CONFIDENCE)
    # true_dist[:, padding_idx] = 0
    true_dist = true_dist.at[:, PADDING_IDX].set(0.0)
    # index_fill_(0, rows where target == padding_idx, 0.0)
    pad_mask = (target == PADDING_IDX)
    true_dist = jnp.where(pad_mask[:, None], 0.0, true_dist)
    return true_dist

if __name__ == "__main__":
    import jax
    _d = setup_inputs()
    print(jax.jit(kernel)(*tuple(_d.values())))

</pallas_src>

<mosaic_0001>
#map = affine_map<(d0, d1) -> (0)>
module attributes {stable_mosaic.version = 14 : i64} {
  func.func @new_body(%arg0: i32, %arg1: i32, %arg2: memref<65536000xf32, #tpu.memory_space<hbm>>, %arg3: memref<2048xi32, #tpu.memory_space<hbm>>, %arg4: memref<65536000xf32, #tpu.memory_space<hbm>>, %arg5: memref<64xi32, #tpu.memory_space<vmem>>, %arg6: memref<64xi32, #tpu.memory_space<vmem>>, %arg7: memref<64xf32, #tpu.memory_space<vmem>>, %arg8: memref<!tpu.dma_semaphore, #tpu.memory_space<semaphore_mem>>) attributes {dimension_semantics = [#tpu.dimension_semantics<core_parallel>, #tpu.dimension_semantics<subcore_parallel>], iteration_bounds = array<i64: 2, 16>, scalar_prefetch = 0 : i64, scratch_operands = 4 : i64, tpu.core_type = #tpu.core_type<sc_vector_subcore>, window_params = [{transform_indices = #map}, {transform_indices = #map}, {transform_indices = #map}]} {
    %mul3A = arith.constant 2 : i32
    %mul3A_0 = arith.muli %arg1, %mul3A : i32
    %add3A = arith.addi %mul3A_0, %arg0 : i32
    %mul3A_1 = arith.constant 64 : i32
    %mul3A_2 = arith.muli %add3A, %mul3A_1 : i32
    "tpu.region"() ({
      %run_scoped3A = tpu.sem_alloc : memref<!tpu.dma_semaphore, #tpu.memory_space<semaphore_mem>>
      %dma_start3A_110 = tpu.memref_slice %arg3[%mul3A_2] : memref<2048xi32, #tpu.memory_space<hbm>> -> memref<64xi32, #tpu.memory_space<hbm>>
      %dma_start3A_111 = tpu.memref_slice %arg3[%mul3A_2] : memref<2048xi32, #tpu.memory_space<hbm>> -> memref<64xi32, #tpu.memory_space<hbm>>
      tpu.enqueue_dma source(%dma_start3A_111 : memref<64xi32, #tpu.memory_space<hbm>>) target(%arg5 : memref<64xi32, #tpu.memory_space<vmem>>) target_semaphore(%run_scoped3A : memref<!tpu.dma_semaphore, #tpu.memory_space<semaphore_mem>>)
      %dma_wait3A_112 = tpu.memref_slice %arg3[%mul3A_2] : memref<2048xi32, #tpu.memory_space<hbm>> -> memref<64xi32, #tpu.memory_space<hbm>>
      %dma_wait3A_113 = tpu.memref_slice %arg3[%mul3A_2] : memref<2048xi32, #tpu.memory_space<hbm>> -> memref<64xi32, #tpu.memory_space<hbm>>
      tpu.wait_dma2 semaphore(%run_scoped3A : memref<!tpu.dma_semaphore, #tpu.memory_space<semaphore_mem>>) src(%dma_wait3A_113 : memref<64xi32, #tpu.memory_space<hbm>>) dst(%arg5 : memref<64xi32, #tpu.memory_space<vmem>>)
      tpu.yield
    }) : () -> ()
    %get3A = arith.constant 0 : index
    %get3A_3 = tpu.vector_load %arg5[%get3A] {strides = array<i32>} : memref<64xi32, #tpu.memory_space<vmem>>, vector<16xi32>,
    %get3A_4 = vector.shape_cast %get3A_3 : vector<16xi32> to vector<16xi32>
    %add3A_5 = arith.constant 0 : i32
    %add3A_6 = arith.addi %mul3A_2, %add3A_5 : i32
    %iota3A = tpu.iota {dimensions = array<i32: 0>} : vector<16xi32>
    %add3A_7 = vector.broadcast %add3A_6 : i32 to vector<16xi32>
    %add3A_8 = arith.addi %add3A_7, %iota3A : vector<16xi32>
    %mul3A_9 = arith.constant 32000 : i32
    %mul3A_10 = vector.broadcast %mul3A_9 : i32 to vector<16xi32>
    %mul3A_11 = arith.muli %add3A_8, %mul3A_10 : vector<16xi32>
    %add3A_12 = arith.addi %mul3A_11, %get3A_4 : vector<16xi32>
    %swap3A = arith.constant 0 : index
    %swap3A_13 = tpu.vector_load %arg6[%swap3A] {strides = array<i32>} : memref<64xi32, #tpu.memory_space<vmem>>, vector<16xi32>,
    %swap3A_14 = vector.shape_cast %swap3A_13 : vector<16xi32> to vector<16xi32>
    %swap3A_15 = vector.shape_cast %add3A_12 : vector<16xi32> to vector<16xi32>
    tpu.vector_store %arg6[%swap3A], %swap3A_15 {strides = array<i32>} : memref<64xi32, #tpu.memory_space<vmem>>, vector<16xi32>,
    %eq3A = arith.constant 0 : i32
    %eq3A_16 = vector.broadcast %eq3A : i32 to vector<16xi32>
    %eq3A_17 = arith.cmpi eq, %get3A_4, %eq3A_16 : vector<16xi32>
    %jit3A = arith.constant 0.000000e+00 : f32
    %jit3A_18 = arith.constant 0.899999976 : f32
    %broadcast_in_dim3A = vector.broadcast %jit3A : f32 to vector<16xf32>
    %broadcast_in_dim3A_19 = vector.broadcast %jit3A_18 : f32 to vector<16xf32>
    %select_n3A = arith.select %eq3A_17, %broadcast_in_dim3A, %broadcast_in_dim3A_19 : vector<16xi1>, vector<16xf32>
    %swap3A_20 = arith.constant 0 : index
    %swap3A_21 = tpu.vector_load %arg7[%swap3A_20] {strides = array<i32>} : memref<64xf32, #tpu.memory_space<vmem>>, vector<16xf32>,
    %swap3A_22 = vector.shape_cast %swap3A_21 : vector<16xf32> to vector<16xf32>
    %swap3A_23 = vector.shape_cast %select_n3A : vector<16xf32> to vector<16xf32>
    tpu.vector_store %arg7[%swap3A_20], %swap3A_23 {strides = array<i32>} : memref<64xf32, #tpu.memory_space<vmem>>, vector<16xf32>,
    %get3A_24 = arith.constant 16 : index
    %get3A_25 = tpu.vector_load %arg5[%get3A_24] {strides = array<i32>} : memref<64xi32, #tpu.memory_space<vmem>>, vector<16xi32>,
    %get3A_26 = vector.shape_cast %get3A_25 : vector<16xi32> to vector<16xi32>
    %add3A_27 = arith.constant 16 : i32
    %add3A_28 = arith.addi %mul3A_2, %add3A_27 : i32
    %iota3A_29 = tpu.iota {dimensions = array<i32: 0>} : vector<16xi32>
    %add3A_30 = vector.broadcast %add3A_28 : i32 to vector<16xi32>
    %add3A_31 = arith.addi %add3A_30, %iota3A_29 : vector<16xi32>
    %mul3A_32 = arith.constant 32000 : i32
    %mul3A_33 = vector.broadcast %mul3A_32 : i32 to vector<16xi32>
    %mul3A_34 = arith.muli %add3A_31, %mul3A_33 : vector<16xi32>
    %add3A_35 = arith.addi %mul3A_34, %get3A_26 : vector<16xi32>
    %swap3A_36 = arith.constant 16 : index
    %swap3A_37 = tpu.vector_load %arg6[%swap3A_36] {strides = array<i32>} : memref<64xi32, #tpu.memory_space<vmem>>, vector<16xi32>,
    %swap3A_38 = vector.shape_cast %swap3A_37 : vector<16xi32> to vector<16xi32>
    %swap3A_39 = vector.shape_cast %add3A_35 : vector<16xi32> to vector<16xi32>
    tpu.vector_store %arg6[%swap3A_36], %swap3A_39 {strides = array<i32>} : memref<64xi32, #tpu.memory_space<vmem>>, vector<16xi32>,
    %eq3A_40 = arith.constant 0 : i32
    %eq3A_41 = vector.broadcast %eq3A_40 : i32 to vector<16xi32>
    %eq3A_42 = arith.cmpi eq, %get3A_26, %eq3A_41 : vector<16xi32>
    %jit3A_43 = arith.constant 0.000000e+00 : f32
    %jit3A_44 = arith.constant 0.899999976 : f32
    %broadcast_in_dim3A_45 = vector.broadcast %jit3A_43 : f32 to vector<16xf32>
    %broadcast_in_dim3A_46 = vector.broadcast %jit3A_44 : f32 to vector<16xf32>
    %select_n3A_47 = arith.select %eq3A_42, %broadcast_in_dim3A_45, %broadcast_in_dim3A_46 : vector<16xi1>, vector<16xf32>
    %swap3A_48 = arith.constant 16 : index
    %swap3A_49 = tpu.vector_load %arg7[%swap3A_48] {strides = array<i32>} : memref<64xf32, #tpu.memory_space<vmem>>, vector<16xf32>,
    %swap3A_50 = vector.shape_cast %swap3A_49 : vector<16xf32> to vector<16xf32>
    %swap3A_51 = vector.shape_cast %select_n3A_47 : vector<16xf32> to vector<16xf32>
    tpu.vector_store %arg7[%swap3A_48], %swap3A_51 {strides = array<i32>} : memref<64xf32, #tpu.memory_space<vmem>>, vector<16xf32>,
    %get3A_52 = arith.constant 32 : index
    %get3A_53 = tpu.vector_load %arg5[%get3A_52] {strides = array<i32>} : memref<64xi32, #tpu.memory_space<vmem>>, vector<16xi32>,
    %get3A_54 = vector.shape_cast %get3A_53 : vector<16xi32> to vector<16xi32>
    %add3A_55 = arith.constant 32 : i32
    %add3A_56 = arith.addi %mul3A_2, %add3A_55 : i32
    %iota3A_57 = tpu.iota {dimensions = array<i32: 0>} : vector<16xi32>
    %add3A_58 = vector.broadcast %add3A_56 : i32 to vector<16xi32>
    %add3A_59 = arith.addi %add3A_58, %iota3A_57 : vector<16xi32>
    %mul3A_60 = arith.constant 32000 : i32
    %mul3A_61 = vector.broadcast %mul3A_60 : i32 to vector<16xi32>
    %mul3A_62 = arith.muli %add3A_59, %mul3A_61 : vector<16xi32>
    %add3A_63 = arith.addi %mul3A_62, %get3A_54 : vector<16xi32>
    %swap3A_64 = arith.constant 32 : index
    %swap3A_65 = tpu.vector_load %arg6[%swap3A_64] {strides = array<i32>} : memref<64xi32, #tpu.memory_space<vmem>>, vector<16xi32>,
    %swap3A_66 = vector.shape_cast %swap3A_65 : vector<16xi32> to vector<16xi32>
    %swap3A_67 = vector.shape_cast %add3A_63 : vector<16xi32> to vector<16xi32>
    tpu.vector_store %arg6[%swap3A_64], %swap3A_67 {strides = array<i32>} : memref<64xi32, #tpu.memory_space<vmem>>, vector<16xi32>,
    %eq3A_68 = arith.constant 0 : i32
    %eq3A_69 = vector.broadcast %eq3A_68 : i32 to vector<16xi32>
    %eq3A_70 = arith.cmpi eq, %get3A_54, %eq3A_69 : vector<16xi32>
    %jit3A_71 = arith.constant 0.000000e+00 : f32
    %jit3A_72 = arith.constant 0.899999976 : f32
    %broadcast_in_dim3A_73 = vector.broadcast %jit3A_71 : f32 to vector<16xf32>
    %broadcast_in_dim3A_74 = vector.broadcast %jit3A_72 : f32 to vector<16xf32>
    %select_n3A_75 = arith.select %eq3A_70, %broadcast_in_dim3A_73, %broadcast_in_dim3A_74 : vector<16xi1>, vector<16xf32>
    %swap3A_76 = arith.constant 32 : index
    %swap3A_77 = tpu.vector_load %arg7[%swap3A_76] {strides = array<i32>} : memref<64xf32, #tpu.memory_space<vmem>>, vector<16xf32>,
    %swap3A_78 = vector.shape_cast %swap3A_77 : vector<16xf32> to vector<16xf32>
    %swap3A_79 = vector.shape_cast %select_n3A_75 : vector<16xf32> to vector<16xf32>
    tpu.vector_store %arg7[%swap3A_76], %swap3A_79 {strides = array<i32>} : memref<64xf32, #tpu.memory_space<vmem>>, vector<16xf32>,
    %get3A_80 = arith.constant 48 : index
    %get3A_81 = tpu.vector_load %arg5[%get3A_80] {strides = array<i32>} : memref<64xi32, #tpu.memory_space<vmem>>, vector<16xi32>,
    %get3A_82 = vector.shape_cast %get3A_81 : vector<16xi32> to vector<16xi32>
    %add3A_83 = arith.constant 48 : i32
    %add3A_84 = arith.addi %mul3A_2, %add3A_83 : i32
    %iota3A_85 = tpu.iota {dimensions = array<i32: 0>} : vector<16xi32>
    %add3A_86 = vector.broadcast %add3A_84 : i32 to vector<16xi32>
    %add3A_87 = arith.addi %add3A_86, %iota3A_85 : vector<16xi32>
    %mul3A_88 = arith.constant 32000 : i32
    %mul3A_89 = vector.broadcast %mul3A_88 : i32 to vector<16xi32>
    %mul3A_90 = arith.muli %add3A_87, %mul3A_89 : vector<16xi32>
    %add3A_91 = arith.addi %mul3A_90, %get3A_82 : vector<16xi32>
    %swap3A_92 = arith.constant 48 : index
    %swap3A_93 = tpu.vector_load %arg6[%swap3A_92] {strides = array<i32>} : memref<64xi32, #tpu.memory_space<vmem>>, vector<16xi32>,
    %swap3A_94 = vector.shape_cast %swap3A_93 : vector<16xi32> to vector<16xi32>
    %swap3A_95 = vector.shape_cast %add3A_91 : vector<16xi32> to vector<16xi32>
    tpu.vector_store %arg6[%swap3A_92], %swap3A_95 {strides = array<i32>} : memref<64xi32, #tpu.memory_space<vmem>>, vector<16xi32>,
    %eq3A_96 = arith.constant 0 : i32
    %eq3A_97 = vector.broadcast %eq3A_96 : i32 to vector<16xi32>
    %eq3A_98 = arith.cmpi eq, %get3A_82, %eq3A_97 : vector<16xi32>
    %jit3A_99 = arith.constant 0.000000e+00 : f32
    %jit3A_100 = arith.constant 0.899999976 : f32
    %broadcast_in_dim3A_101 = vector.broadcast %jit3A_99 : f32 to vector<16xf32>
    %broadcast_in_dim3A_102 = vector.broadcast %jit3A_100 : f32 to vector<16xf32>
    %select_n3A_103 = arith.select %eq3A_98, %broadcast_in_dim3A_101, %broadcast_in_dim3A_102 : vector<16xi1>, vector<16xf32>
    %swap3A_104 = arith.constant 48 : index
    %swap3A_105 = tpu.vector_load %arg7[%swap3A_104] {strides = array<i32>} : memref<64xf32, #tpu.memory_space<vmem>>, vector<16xf32>,
    %swap3A_106 = vector.shape_cast %swap3A_105 : vector<16xf32> to vector<16xf32>
    %swap3A_107 = vector.shape_cast %select_n3A_103 : vector<16xf32> to vector<16xf32>
    tpu.vector_store %arg7[%swap3A_104], %swap3A_107 {strides = array<i32>} : memref<64xf32, #tpu.memory_space<vmem>>, vector<16xf32>,
    %dma_start3A = arith.constant 0 : i32
    %dma_start3A_108 = tpu.memref_slice %arg2[%dma_start3A] : memref<65536000xf32, #tpu.memory_space<hbm>> -> memref<65536000xf32, #tpu.memory_space<hbm>>
    tpu.enqueue_indirect_dma source(%arg7 : memref<64xf32, #tpu.memory_space<vmem>>) target(%dma_start3A_108 : memref<65536000xf32, #tpu.memory_space<hbm>>) offsets(%arg6 : memref<64xi32, #tpu.memory_space<vmem>>) semaphore(%arg8 : memref<!tpu.dma_semaphore, #tpu.memory_space<semaphore_mem>>)
    %dma_wait3A = arith.constant 0 : i32
    %dma_wait3A_109 = tpu.memref_slice %arg2[%dma_wait3A] : memref<65536000xf32, #tpu.memory_space<hbm>> -> memref<65536000xf32, #tpu.memory_space<hbm>>
    tpu.wait_indirect_dma semaphore(%arg8 : memref<!tpu.dma_semaphore, #tpu.memory_space<semaphore_mem>>) src(%arg7 : memref<64xf32, #tpu.memory_space<vmem>>) dst(%dma_wait3A_109 : memref<65536000xf32, #tpu.memory_space<hbm>>)
    return
  }
}

module attributes {stable_mosaic.version = 14 : i64} {
  func.func @_fill_kernel(%arg0: i32, %arg1: memref<1x1x64xi32, #tpu.memory_space<vmem>>, %arg2: memref<64x32000xf32, #tpu.memory_space<vmem>>) attributes {dimension_semantics = [#tpu.dimension_semantics<arbitrary>], iteration_bounds = array<i64: 32>, scalar_prefetch = 0 : i64, scratch_operands = 0 : i64, tpu.core_type = #tpu.core_type<tc>, window_params = [{transform_indices = @transform_0, window_bounds = array<i64: 1, 1, 64>}, {transform_indices = @transform_1, window_bounds = array<i64: 64, 32000>}]} {
    %get3A = arith.constant 0 : index
    %get3A_0 = arith.constant 0 : index
    %get3A_1 = arith.constant 0 : index
    %get3A_2 = vector.load %arg1[%get3A, %get3A_0, %get3A_1] : memref<1x1x64xi32, #tpu.memory_space<vmem>>, vector<1x1x64xi32>
    %get3A_3 = vector.shape_cast %get3A_2 : vector<1x1x64xi32> to vector<1x64xi32>
    %reshape3A = vector.shape_cast %get3A_3 : vector<1x64xi32> to vector<64x1xi32>
    %iota3A = tpu.iota {dimensions = array<i32: 1>} : vector<64x32000xi32>
    %eq3A = arith.constant 0 : i32
    %eq3A_4 = vector.broadcast %eq3A : i32 to vector<64x32000xi32>
    %eq3A_5 = arith.cmpi eq, %iota3A, %eq3A_4 : vector<64x32000xi32>
    %jit3A = arith.constant 0.000000e+00 : f32
    %jit3A_6 = arith.constant 3.12519524E-6 : f32
    %broadcast_in_dim3A = vector.broadcast %jit3A : f32 to vector<64x32000xf32>
    %broadcast_in_dim3A_7 = vector.broadcast %jit3A_6 : f32 to vector<64x32000xf32>
    %select_n3A = arith.select %eq3A_5, %broadcast_in_dim3A, %broadcast_in_dim3A_7 : vector<64x32000xi1>, vector<64x32000xf32>
    %eq3A_8 = arith.constant 0 : i32
    %eq3A_9 = vector.broadcast %eq3A_8 : i32 to vector<64x1xi32>
    %eq3A_10 = arith.cmpi eq, %reshape3A, %eq3A_9 : vector<64x1xi32>
    %jit3A_11 = arith.constant 0.000000e+00 : f32
    %broadcast_in_dim3A_12 = vector.shape_cast %eq3A_10 : vector<64x1xi1> to vector<64x1xi1>
    %broadcast_in_dim3A_13 = vector.broadcast %broadcast_in_dim3A_12 : vector<64x1xi1> to vector<64x32000xi1>
    %broadcast_in_dim3A_14 = vector.broadcast %jit3A_11 : f32 to vector<64x32000xf32>
    %select_n3A_15 = arith.select %broadcast_in_dim3A_13, %broadcast_in_dim3A_14, %select_n3A : vector<64x32000xi1>, vector<64x32000xf32>
    %swap3A = arith.constant 0 : index
    %swap3A_16 = arith.constant 0 : index
    %swap3A_17 = vector.load %arg2[%swap3A, %swap3A_16] : memref<64x32000xf32, #tpu.memory_space<vmem>>, vector<64x32000xf32>
    tpu.vector_store %arg2[%swap3A, %swap3A_16], %select_n3A_15 {strides = array<i32>} : memref<64x32000xf32, #tpu.memory_space<vmem>>, vector<64x32000xf32>,
    return
  }
  func.func @transform_0(%arg0: i32) -> (i32, i32, i32) {
    %c0_i32 = arith.constant 0 : i32
    %c0_i32_0 = arith.constant 0 : i32
    %c0_i32_1 = arith.constant 0 : i32
    return %arg0, %c0_i32, %c0_i32_0 : i32, i32, i32
  }
  func.func @transform_1(%arg0: i32) -> (i32, i32) {
    %c0_i32 = arith.constant 0 : i32
    %c0_i32_0 = arith.constant 0 : i32
    return %arg0, %c0_i32 : i32, i32
  }
}

</mosaic_0001>

<sc_bundles>
// kernel: kernel.4.cloned.1.call-start
scs
__scs_entry_jumppad:
0x0: {  	(pc) =	sbr.rel $0x88, $3  }
0x1: {  	(tag) =	ssettag $0x0;
	lr =	simm.s32 $0x1  }
0x2: {  	[smem:$0x3FA0] =	sst lr;
	_ =	strace $0xD0000000  }
0x3: {  	_ = 	snop  }
0x4: {  	_ = 	snop  }
0x5: {  	_ = 	snop  }
0x6: {  	_ = 	snop  }
0x7: {  	_ = 	snop  }
__scs_overlays_trampoline_lowered:
0x8: {  	[smem:$0x3FAF] =	sst s0  }
0x9: {  	[smem:$0x3FB0] =	sst s1  }
0xa: {  	[smem:$0x3FB1] =	sst s2  }
0xb: {  	[smem:$0x3FB2] =	sst s3  }
0xc: {  	[smem:$0x3FB3] =	sst s4  }
0xd: {  	[smem:$0x3FB4] =	sst s5  }
0xe: {  	[smem:$0x3FB5] =	sst s6  }
0xf: {  	[smem:$0x3FB6] =	sst s7  }
0x10: {  	[smem:$0x3FB7] =	sst s8  }
0x11: {  	[smem:$0x3FB8] =	sst s9;
	s0 =	simm.s32 @!p0 $0x0  }
0x12: {  	s1 =	sld [smem:$0x3F9E];
	s0 =	simm.s32 @p0 $0x1  }
0x13: {  	[smem:$0x3FB9] =	sst s0;
	s0 =	simm.s32 @!p1 $0x0  }
0x14: {  	s2 =	sld [smem:$0x3F9D];
	s0 =	simm.s32 @p1 $0x1  }
0x15: {  	[smem:$0x3FBA] =	sst s0;
	s0 =	simm.s32 @!p2 $0x0  }
0x16: {  	s3 =	sld [smem:$0x3FDB];
	s0 =	simm.s32 @p2 $0x1  }
0x17: {  	s4 =	simm.s32 $0x1BF5;
	[smem:$0x3FBC] =	sst s0  }
0x18: {  	s0 =	sld [smem:$0x3F9F];
	_ =	swait.ge [sflag:s4], $0x0  }
0x19: {  	s7 =	sld [smem:$0x3FA0]  }
0x1a: {  	s8 =	sadd.s32 $0xFFFFE003, lr  }
0x1b: {  	s9 =	sadd.s32 $0xFFFFFEF7, lr;
	s5 =	simm.s32 $0xFFFFFFFF;
	p2 =	slt.u32 s8, $0xFFFFF086  }
0x1c: {  	p1 =	slt.u32 s9, $0xF7A;
	s5 =	simm.s32 @!p2 $0x0  }
0x1d: {  	s5 =	simm.s32 @p1 $0x1;
	p0 =	seq.s32 s7, s2  }
0x1e: {  	s7 =	smul.u32 @!p0 $0xF7A, s2;
	p2 =	seq.s32 @!p0 s5, $0x0  }
0x1f: {  	s9 =	smul.u32 $0xF7A, s1;
	s8 =	simm.s32 @!p0 $0x1BF5;
	p2 =	por !p2, p0  }
0x20: {  	[sflag:s8] =	ssyncset.s32 @!p0 $0xFFFFF086;
	s6 =	sadd.s32 @!p0 s3, s7;
	s7 =	simm.s32 @!p0 $0x108  }
0x21: {  	s3 =	sadd.s32 s3, s9;
	s6 =	sadd.s32 @!p0 $0x88, s6;
	s7 =	simm.s32 @p2 $0x1082  }
0x22: {  	[simem:s7], [sflag:s8] =	dma.local @!p0 [hbm:s6], $0xF7A  }
0x23: {  	s9 =	sor.u32 $0xD0000000, s2;
	s6 =	simm.s32 $0x108;
	_ =	swait.ge @!p0 [sflag:s8], $0x0  }
0x24: {  	s3 =	sadd.s32 $0x88, s3;
	s6 =	simm.s32 @!p1 $0x1082;
	[sflag:s4] =	ssyncset.s32 $0xFFFFF086  }
0x25: {  	[simem:s6], [sflag:s4] =	dma.local [hbm:s3], $0xF7A  }
0x26: {  	[smem:$0x3FA0] =	sst s1;
	(tag) =	ssettag s2;
	_ =	strace s9  }
0x27: {  	s1 =	sld [smem:$0x3FB0]  }
0x28: {  	s2 =	sld [smem:$0x3FB1]  }
0x29: {  	s4 =	sld [smem:$0x3FB3]  }
0x2a: {  	p0 =	seq.s32 s5, $0x0;
	s5 =	sld [smem:$0x3FB4]  }
0x2b: {  	s6 =	sld [smem:$0x3FB5]  }
0x2c: {  	s7 =	sld [smem:$0x3FB6]  }
0x2d: {  	s3 =	simm.s32 $0x108;
	s8 =	sld [smem:$0x3FB7]  }
0x2e: {  	s3 =	simm.s32 @!p0 $0x1082;
	s9 =	sld [smem:$0x3FB8]  }
0x2f: {  	lr =	sadd.s32 s0, s3;
	s0 =	sld [smem:$0x3FAF]  }
0x30: {  	s3 =	sld [smem:$0x3FB2]  }
0x31: {  	[smem:$0x3FBB] =	sst s10  }
0x32: {  	s10 =	sld [smem:$0x3FB9];
	_ =	sdelay $0x3  }
0x33: {  	p0 =	seq.s32 s10, $0x1;
	s10 =	sld [smem:$0x3FBB];
	_ =	sdelay $0x3  }
0x34: {  	[smem:$0x3FBB] =	sst s10  }
0x35: {  	s10 =	sld [smem:$0x3FBA];
	_ =	sdelay $0x3  }
0x36: {  	p1 =	seq.s32 s10, $0x1;
	s10 =	sld [smem:$0x3FBB];
	_ =	sdelay $0x3  }
0x37: {  	[smem:$0x3FBB] =	sst s10  }
0x38: {  	s10 =	sld [smem:$0x3FBC]  }
0x39: {  	_ = 	snop;
	(pc) =	sbr.ind lr, $3  }
0x3a: {  	_ = 	snop  }
0x3b: {  	_ = 	snop  }
0x3c: {  	p2 =	seq.s32 s10, $0x1;
	s10 =	sld [smem:$0x3FBB]  }
0x3d: {  	_ =	shalt  }
0x3e: {  	_ =	shalt  }
0x3f: {  	_ =	shalt  }
0x40: {  	_ =	shalt  }
0x41: {  	_ =	shalt  }
0x42: {  	_ =	shalt  }
0x43: {  	_ =	shalt  }
0x44: {  	_ =	shalt  }
0x45: {  	_ =	shalt  }
0x46: {  	_ =	shalt  }
0x47: {  	_ =	shalt  }
0x48: {  	_ =	shalt  }
0x49: {  	_ =	shalt  }
0x4a: {  	_ =	shalt  }
0x4b: {  	_ =	shalt  }
0x4c: {  	_ =	shalt  }
0x4d: {  	_ =	shalt  }
0x4e: {  	_ =	shalt  }
0x4f: {  	_ =	shalt  }
0x50: {  	_ =	shalt  }
0x51: {  	_ =	shalt  }
0x52: {  	_ =	shalt  }
0x53: {  	_ =	shalt  }
0x54: {  	_ =	shalt  }
0x55: {  	_ =	shalt  }
0x56: {  	_ =	shalt  }
0x57: {  	_ =	shalt  }
0x58: {  	_ =	shalt  }
0x59: {  	_ =	shalt  }
0x5a: {  	_ =	shalt  }
0x5b: {  	_ =	shalt  }
0x5c: {  	_ =	shalt  }
0x5d: {  	_ =	shalt  }
0x5e: {  	_ =	shalt  }
0x5f: {  	_ =	shalt  }
0x60: {  	_ =	shalt  }
0x61: {  	_ =	shalt  }
0x62: {  	_ =	shalt  }
0x63: {  	_ =	shalt  }
0x64: {  	_ =	shalt  }
0x65: {  	_ =	shalt  }
0x66: {  	_ =	shalt  }
0x67: {  	_ =	shalt  }
0x68: {  	_ =	shalt  }
0x69: {  	_ =	shalt  }
0x6a: {  	_ =	shalt  }
0x6b: {  	_ =	shalt  }
0x6c: {  	_ =	shalt  }
0x6d: {  	_ =	shalt  }
0x6e: {  	_ =	shalt  }
0x6f: {  	_ =	shalt  }
0x70: {  	_ =	shalt  }
0x71: {  	_ =	shalt  }
0x72: {  	_ =	shalt  }
0x73: {  	_ =	shalt  }
0x74: {  	_ =	shalt  }
0x75: {  	_ =	shalt  }
0x76: {  	_ =	shalt  }
0x77: {  	_ =	shalt  }
0x78: {  	_ =	shalt  }
0x79: {  	_ =	shalt  }
0x7a: {  	_ =	shalt  }
0x7b: {  	_ =	shalt  }
0x7c: {  	_ =	shalt  }
0x7d: {  	_ =	shalt  }
0x7e: {  	_ =	shalt  }
0x7f: {  	_ =	shalt  }
0x80: {  	_ =	shalt  }
0x81: {  	_ =	shalt  }
0x82: {  	_ =	shalt  }
0x83: {  	_ =	shalt  }
0x84: {  	_ =	shalt  }
0x85: {  	_ =	shalt  }
0x86: {  	_ =	shalt  }
0x87: {  	_ =	shalt  }
.Lfunc_end0:
.L_simem_size_0:
called_computation_lowered:
.L_overlay_start_0:
0x88: {  	s2 =	sld [smem:$0x3FD9]  }
0x89: {  	s3 =	sld [smem:$0x3FFE];
	_ =	sdelay $0x1  }
0x8a: {  	s1 =	srdreg.scid  }
0x8b: {  	s0 =	sand.u32 $0x1, s1  }
0x8c: {  	s17 =	sshll.u32 s0, $0xA;
	s2 =	sadd.s32 s3, s2  }
0x8d: {  	s2 =	sadd.s32 s2, s17  }
0x8e: {  	[smem:$0x3FC7] =	sst s2  }
0x8f: {  	_ = 	snop  }
0x90: {  	s2 =	sld [smem:$0x3FC9];
	(tm) =	ssettm $0x1  }
0x91: {  	s18 =	sld [smem:$0x3FFB];
	_ =	sdelay $0x3  }
0x92: {  	_ =	strace s18  }
0x93: {  	s3 =	sld [smem:$0x3FFC];
	_ =	sdelay $0x3  }
0x94: {  	_ =	strace s3  }
0x95: {  	s3 =	sld [smem:$0x3FFD];
	_ =	sdelay $0x3  }
0x96: {  	_ =	strace s3  }
0x97: {  	_ =	strace $0x8FFFFFFF  }
0x98: {  	s19 =	sld [smem:$0x3FDB];
	_ =	sdelay $0x1  }
0x99: {  	s4 =	simm.s32 $_scs_section_size  }
0x9a: {  	s5 =	simm.s32 $_size__tile_overlayer_lowered;
	s6 =	simm.s32 $_tile_overlayer_lowered  }
0x9b: {  	s22 =	simm.s32 $0x1BFF;
	s21 =	sshll.u32 s6, $0x1;
	s3 =	sadd.s32 s4, s19  }
0x9c: {  	s7 =	simm.s32 $0x0;
	s20 =	sshll.u32 s5, $0x1;
	s5 =	sadd.s32 s21, s3  }
0x9d: {  	[timem:s7], [sflag:s22] =	dma.local [hbm:s5], s20  }
0x9e: {  	_ =	swait.ge [sflag:s22], s20  }
0x9f: {  	s4 =	ssub.s32 $0x0, s20;
	[sflag:s22] =	ssyncset.done $0x0  }
0xa0: {  	[sflag:s22] =	ssyncadd.s32 s4;
	_ =	sdelay $0x1  }
0xa1: {  	s23 =	simm.s32 $0x1B8B  }
0xa2: {  	_ =	swait.ge [sflag:s23], $0x1  }
0xa3: {  	[sflag:s23] =	ssyncset.done $0x0  }
0xa4: {  	s25 =	simm.s32 $0x1B8E;
	s24 =	sld [smem:$0x3FFE];
	[sflag:s23] =	ssyncadd.s32 $0xFFFFFFFF  }
0xa5: {  	s26 =	simm.s32 $execute0_lowered;
	[smem:$0x3FD2] =	sst s25  }
0xa6: {  	s5 =	sshll.u32 s26, $0x1;
	_ =	strace $0x80000046;
	[dreg:$0x1] =	wrdreg $0xFFFFFFFF  }
0xa7: {  	s28 =	simm.s32 $_size_execute0_lowered;
	s3 =	sadd.s32 s3, s5;
	[dreg:$0x0] =	wrdreg $0x0  }
0xa8: {  	s5 =	sshll.u32 s28, $0x1;
	[dreg:$0x2] =	wrdreg s3  }
0xa9: {  	[dreg:$0x3] =	wrdreg s5  }
0xaa: {  	[dreg:$0x4] =	wrdreg $0xC0  }
0xab: {  	_ =	task [dreg:s7], $0x5FFFF  }
0xac: {  	[dreg:$0x1] =	wrdreg $0xFFFFFFFF  }
0xad: {  	[dreg:$0x0] =	wrdreg $0x60  }
0xae: {  	[dreg:$0x2] =	wrdreg s24  }
0xaf: {  	[dreg:$0x3] =	wrdreg s2  }
0xb0: {  	[dreg:$0x4] =	wrdreg $0x9  }
0xb1: {  	_ =	task.clear_ibuf [dreg:s7], $0x5FFFF;
	_ =	strace $0x90000046  }
0xb2: {  	s29 =	simm.s32 $0x9;
	_ =	strace $0x80000048  }
0xb3: {  	_ =	swait.ge [sflag:s29], $0x1  }
0xb4: {  	[sflag:s29] =	ssyncadd.s32 $0xFFFFFFFF  }
0xb5: {  	_ =	strace $0x90000048  }
0xb6: {  	_ =	sfence  }
0xb7: {  	s30 =	sld [smem:$0x0];
	_ =	sdelay $0x2  }
0xb8: {  	s31 =	sshll.u32 s1, $0xD;
	s1 =	sshrl.u32 s1, $0x2  }
0xb9: {  	s3 =	sand.u32 $0x4000, s31;
	s1 =	sadd.s32 s1, s30  }
0xba: {  	s0 =	sor.u32 s3, s0;
	s1 =	sshll.u32 s1, $0x11  }
0xbb: {  	s0 =	sor.u32 s1, s0  }
0xbc: {  	s0 =	sadd.s32 $0x8F2B, s0  }
0xbd: {  	[sflag:s0] =	ssyncadd.remote.s32 $0x1  }
0xbe: {  	_ =	sfence.sel $0xFFFF  }
0xbf: {  	[dreg:$0x0] =	wrdreg $0xFFFFFFFF;
	(pc) =	sbr.abs _section_cstart, $3  }
0xc0: {  	[dreg:$0x1] =	wrdreg $0xFFFFFFFF  }
0xc1: {  	_ =	task.clear_ibuf [dreg:s7], $0x2FFFF;
	_ =	strace $0x9FFFFFFF  }
0xc2: {  	(tm) =	ssettm $0x7FFFFFFF  }
0xc3: {  	_ =	shalt  }
tec
execute0_lowered:
.L_overlay_start_1:
0x0: {  	(tag) =	ssettag $0x1  }
0x1: {  	s1 =	srdreg.scid  }
0x2: {  	s5 =	rddreg [dreg:$0x0];
	s0 =	stileid.u32;
	s6 =	sand.u32 $0x1, s1  }
0x3: {  	s3 =	rddreg [dreg:$0x1];
	s4 =	sshll.u32 s0, $0x7;
	s7 =	sshll.u32 s6, $0x6  }
0x4: {  	s2 =	simm.s32 $0x0;
	s1 =	rddreg [dreg:$0x2];
	s7 =	sor.u32 s7, s4  }
0x5: {  	[smem:$0x7FF] =	sst s2;
	s4 =	sshrl.u32 s7, $0x3  }
0x6: {  	_ =	strace $0x80000047;
	s3 =	sadd.s32 s3, s4;
	s4 =	simm.s32 $0x2  }
0x7: {  	[tilespmem:s2], [sflag:$0x2] =	stream.linear.gather [hbm4b:s3+s2], $0x40, $0x38;
	[tilespmem:$0x180] =	vst v63  }
0x8: {  	_ =	swait.ge [sflag:s4], $0x40  }
0x9: {  	s8 =	sor.u32 $0x30, s7;
	[sflag:s4] =	ssyncset.done $0x0  }
0xa: {  	v1 =	vmov s8;
	[sflag:s4] =	ssyncadd.s32 $0xFFFFFFC0  }
0xb: {  	v2 =	vlaneseq.u32;
	v0 =	vmov s7;
	s30 =	sor.u32 $0x10, s7;
	v1 =	vmul.u32 $0x7D00, v1;
	v3 =	vld [tilespmem:$0x30]  }
0xc: {  	v4 =	vmul.u32 $0x7D00, v2;
	s6 =	ssub.s32 $0x2, s6;
	s7 =	sor.u32 $0x20, s7;
	v0 =	vmul.u32 $0x7D00, v0;
	v2 =	vmov s30;
	v5 =	vld [tilespmem:$0x0]  }
0xd: {  	s31 =	sshrl.u32 s6, $0x1;
	v6 =	vmov s7;
	v2 =	vmul.u32 $0x7D00, v2;
	v1 =	vbroadcast v1, $0x0  }
0xe: {  	s6 =	ssub.s32 s6, s31;
	v6 =	vmul.u32 $0x7D00, v6;
	v0 =	vbroadcast v0, $0x0;
	v7 =	vld [tilespmem:$0x10]  }
0xf: {  	s10 =	smax.u32 s6, $0x1;
	v9 =	vbroadcast v2, $0x0;
	v1 =	vadd.s32 v4, v1;
	v8 =	vld [tilespmem:$0x20]  }
0x10: {  	p0 =	sne.s32 s10, $0x1;
	v6 =	vbroadcast v6, $0x0;
	v0 =	vadd.s32 v4, v0;
	v10 =	vadd.s32 v3, v1  }
.Ltmp0:
0x11: {  	v2 =	vimm.f32 $8.999999760e-01;
	vm0 =	veq.s32 v3, $0x0;
	v61 =	vadd.s32 v5, v0;
	[tilespmem:$0xB0] =	vst v10;
	(pc) =	sbr.rel @!p0 .LBB2_2-.Ltmp0, $4  }
0x12: {  	v3 =	vadd.s32 v4, v9;
	v62 =	vsel vm0, $0x0, v2;
	[tilespmem:$0x80] =	vst v61  }
0x13: {  	v4 =	vadd.s32 v4, v6;
	vm14 =	veq.s32 v5, $0x0;
	v5 =	vadd.s32 v7, v3;
	[tilespmem:$0x130] =	vst v62  }
0x14: {  	s9 =	simm.s32 $0x100;
	s5 =	sadd.s32 $0x400, s5;
	s6 =	simm.s32 $0x40;
	vm15 =	veq.s32 v7, $0x0;
	vm1 =	veq.s32 v8, $0x0;
	v63 =	vsel vm14, $0x0, v2;
	[tilespmem:$0x90] =	vst v5  }
0x15: {  	s7 =	simm.s32 $0x80;
	s8 =	simm.s32 $0x1;
	s10 =	sadd.s32 $0xFFFFFFFF, s10;
	v7 =	vsel vm15, $0x0, v2;
	v6 =	vsel vm1, $0x0, v2;
	v5 =	vadd.s32 v8, v4;
	[tilespmem:$0x100] =	vst v63  }
.LBB2_1:
0x16: {  	p0 =	sne.s32 s10, $0x1;
	s10 =	sadd.s32 $0xFFFFFFFF, s10;
	[tilespmem:$0xA0] =	vst v5  }
0x17: {  	[tilespmem:$0x110] =	vst v7  }
0x18: {  	[tilespmem:$0x120] =	vst v6  }
0x19: {  	[hbm4b:s5+s6] =	stream.indirect.scatter [tilespmem:s9], [sflag:$0x1], $0x1, s7, s6, $0xb8;
	[tilespmem:$0x180] =	vst v63  }
0x1a: {  	_ =	swait.ge [sflag:s8], $0x40  }
0x1b: {  	[sflag:s8] =	ssyncset.done $0x0  }
0x1c: {  	[sflag:s8] =	ssyncadd.s32 $0xFFFFFFC0  }
0x1d: {  	[tilespmem:s2], [sflag:$0x2] =	stream.linear.gather [hbm4b:s3+s2], $0x40, $0x38;
	[tilespmem:$0x180] =	vst v63  }
0x1e: {  	_ =	swait.ge [sflag:s4], $0x40  }
0x1f: {  	[sflag:s4] =	ssyncset.done $0x0  }
0x20: {  	[sflag:s4] =	ssyncadd.s32 $0xFFFFFFC0  }
0x21: {  	v5 =	vld [tilespmem:$0x30]  }
0x22: {  	v6 =	vld [tilespmem:$0x0]  }
0x23: {  	v7 =	vld [tilespmem:$0x20]  }
0x24: {  	v8 =	vld [tilespmem:$0x10];
	_ =	sdelay $0x1  }
0x25: {  	v9 =	vadd.s32 v5, v1;
	vm0 =	veq.s32 v5, $0x0  }
.Ltmp1:
0x26: {  	v5 =	vadd.s32 v6, v0;
	vm1 =	veq.s32 v6, $0x0;
	[tilespmem:$0xB0] =	vst v9;
	v6 =	vsel vm0, $0x0, v2;
	(pc) =	sbr.rel @p0 .LBB2_1-.Ltmp1, $4  }
0x27: {  	[tilespmem:$0x80] =	vst v5;
	v9 =	vsel vm1, $0x0, v2;
	v5 =	vadd.s32 v7, v4  }
0x28: {  	vm1 =	veq.s32 v7, $0x0;
	v10 =	vadd.s32 v8, v3;
	vm0 =	veq.s32 v8, $0x0;
	[tilespmem:$0x130] =	vst v6  }
0x29: {  	v6 =	vsel vm1, $0x0, v2;
	[tilespmem:$0x90] =	vst v10;
	v7 =	vsel vm0, $0x0, v2  }
0x2a: {  	[tilespmem:$0x100] =	vst v9  }
.LBB2_2:
0x2b: {  	[tilespmem:$0xA0] =	vst v5  }
0x2c: {  	[tilespmem:$0x110] =	vst v7  }
0x2d: {  	[tilespmem:$0x120] =	vst v6  }
0x2e: {  	[hbm4b:s5+s6] =	stream.indirect.scatter [tilespmem:s9], [sflag:$0x1], $0x1, s7, s6, $0xb8;
	[tilespmem:$0x180] =	vst v63  }
0x2f: {  	_ =	swait.ge [sflag:s8], $0x40  }
0x30: {  	[sflag:s8] =	ssyncset.done $0x0  }
0x31: {  	[sflag:s8] =	ssyncadd.s32 $0xFFFFFFC0  }
0x32: {  	_ =	sfence.sel $0x180000  }
0x33: {  	[bflag:$0x0] =	sbarrier.arrive $0xFFFF  }
0x34: {  	p0 =	sne.s32 s0, $0x0;
	_ =	strace $0x90000047  }
0x35: {  	s0 =	sadd.s32 @!p0 $0x100000, s1;
	[bflag:$0x2] =	sbarrier.arrive $0xFFFF  }
0x36: {  	[sflag:s0] =	ssyncadd.tile.s32 @!p0 $0x1;
	_ =	shalt  }
.Lfunc_end2:
_tile_overlayer_lowered:
.L_overlay_start_2:
0x37: {  	(tag) =	ssettag $0x2  }
0x38: {  	s0 =	rddreg [dreg:$0x0];
	s2 =	stileid.u32  }
0x39: {  	s1 =	rddreg [dreg:$0x1];
	p0 =	sne.s32 s2, $0x0  }
0x3a: {  	s3 =	rddreg [dreg:$0x2];
	[bflag:$0x3] =	sbarrier.arrive $0xFFFF;
	s2 =	simm.s32 @!p0 $0x1C02  }
0x3b: {  	[timem:s3], [sflag:s2] =	dma.local @!p0 [hbm:s0], s1  }
0x3c: {  	s0 =	simm.s32 @!p0 $0x2  }
0x3d: {  	_ =	swait.ge @!p0 [sflag:s0], s1  }
0x3e: {  	s1 =	ssub.s32 @!p0 $0x0, s1;
	[sflag:s0] =	ssyncset.done @!p0 $0x0  }
0x3f: {  	[sflag:s0] =	ssyncadd.s32 @!p0 s1  }
0x40: {  	[bflag:$0x3] =	sbarrier.arrive $0xFFFF  }
0x41: {  	_ =	shalt  }

</sc_bundles>
